<compile_context>
chip_gen: v7x
topology: tpu7x:2x2x1
jax: 0.10.2.dev20260603
libtpu: 0.0.44.dev20260713+nightly
codegen_flags: <defaults>
</compile_context>

<pallas_src>
import jax
import jax.numpy as jnp
from jax import lax
from jax.experimental import pallas as pl
from jax.experimental.pallas import tpu as pltpu
from jax.experimental.pallas import tpu_sc as plsc

_BF, _V, _C, _E = 4096, 64, 128, 128
_F = 256
_L = 16


def _rsqrt16(d):
    magic = jnp.full((_L,), 0x5F3759DF, dtype=jnp.int32)
    y = plsc.bitcast(magic - (plsc.bitcast(d, jnp.int32) >> 1), jnp.float32)
    half = d * 0.5
    for _ in range(3):
        y = y * (1.5 - half * y * y)
    return y


def _build_a_sc_body(ei_hbm, a_hbm, ei_v, deg_v, a_v):
    pltpu.sync_copy(ei_hbm, ei_v)
    zeros = jnp.zeros((_L,), jnp.float32)

    def _zero(r, _):
        for j in range(_V // _L):
            a_v[r, pl.ds(j * _L, _L)] = zeros
        return _
    lax.fori_loop(0, _V, _zero, None)
    ones = jnp.ones((_L,), jnp.float32)
    for c in range(_V // _L):
        deg_v[pl.ds(c * _L, _L)] = ones
    for c in range(_E // _L):
        dst = ei_v[1, pl.ds(c * _L, _L)]
        plsc.addupdate_scatter(deg_v, [dst], ones)
    for c in range(_V // _L):
        deg_v[pl.ds(c * _L, _L)] = _rsqrt16(deg_v[pl.ds(c * _L, _L)])
    for c in range(_E // _L):
        src = ei_v[0, pl.ds(c * _L, _L)]
        dst = ei_v[1, pl.ds(c * _L, _L)]
        norm = plsc.load_gather(deg_v, [src]) * plsc.load_gather(deg_v, [dst])
        plsc.addupdate_scatter(a_v, [dst, src], norm)
    for c in range(_V // _L):
        dinv = deg_v[pl.ds(c * _L, _L)]
        idx = lax.iota(jnp.int32, _L) + c * _L
        plsc.addupdate_scatter(a_v, [idx, idx], dinv * dinv)
    pltpu.sync_copy(a_v, a_hbm)


def _build_a(edge_index):
    run = pl.kernel(
        _build_a_sc_body,
        mesh=plsc.VectorSubcoreMesh(core_axis_name="c", subcore_axis_name="s",
                                    num_cores=1, num_subcores=1),
        out_type=jax.ShapeDtypeStruct((_V, _V), jnp.float32),
        scratch_types=[
            pltpu.VMEM((2, _E), jnp.int32),
            pltpu.VMEM((_V,), jnp.float32),
            pltpu.VMEM((_V, _V), jnp.float32),
        ],
        compiler_params=pltpu.CompilerParams(needs_layout_passes=False),
    )
    return run(edge_index)


def _gcn_body(a_ref, w_ref, b_ref, x_ref, o_ref):
    xb = x_ref[...]
    h = jnp.dot(xb.reshape(_F * _V, _C), w_ref[...],
                preferred_element_type=jnp.float32)
    h = h.reshape(_F, _V, _C)
    a_b = jnp.broadcast_to(a_ref[...][None], (_F, _V, _V))
    z = lax.dot_general(
        a_b, h, (((2,), (1,)), ((0,), (0,))),
        preferred_element_type=jnp.float32)
    o_ref[...] = z + b_ref[...][None]


def kernel(x, edge_index, adj_matrix, gcn_w, gcn_b, aw_w, aw_b):
    a = _build_a(edge_index)
    b2 = gcn_b.reshape(1, _C)
    out = pl.pallas_call(
        _gcn_body,
        grid=(_BF // _F,),
        in_specs=[
            pl.BlockSpec((_V, _V), lambda i: (0, 0)),
            pl.BlockSpec((_C, _C), lambda i: (0, 0)),
            pl.BlockSpec((1, _C), lambda i: (0, 0)),
            pl.BlockSpec((_F, _V, _C), lambda i: (i, 0, 0)),
        ],
        out_specs=pl.BlockSpec((_F, _V, _C), lambda i: (i, 0, 0)),
        out_shape=jax.ShapeDtypeStruct((_BF, _V, _C), jnp.float32),
        compiler_params=pltpu.CompilerParams(
            dimension_semantics=("parallel",)),
    )(a, gcn_w, b2, x)
    return out

# --- scband reference (transcript-rebuilt; emitter-appended) ---
"""Pipeline reference for scband-adaptive-gcnlayer-73624329388096 (READ-ONLY COPY).

The authoritative reference and input builder live on the scoring server;
editing this copy changes nothing except your own understanding.
"""

import jax, jax.numpy as jnp
import numpy as np

BF, V, C_IN, C_OUT, E = 4096, 64, 128, 128, 128


def setup_inputs(seed: int = 0) -> dict:
    key = jax.random.key(seed)
    ks = jax.random.split(key, 8)
    x = jax.random.normal(ks[0], (BF, V, C_IN), dtype=jnp.float32)
    edge_index = jax.random.randint(ks[1], (2, E), 0, V, dtype=jnp.int32)
    adj_matrix = jnp.eye(V, dtype=jnp.float32)
    gcn_w = jax.random.normal(ks[2], (C_IN, C_OUT), dtype=jnp.float32) * (1.0 / np.sqrt(C_IN))
    gcn_b = jnp.zeros((C_OUT,), dtype=jnp.float32)
    aw_w = jax.random.normal(ks[3], (C_IN, V * V), dtype=jnp.float32) * (1.0 / np.sqrt(C_IN))
    aw_b = jnp.zeros((V * V,), dtype=jnp.float32)
    return {"x": x, "edge_index": edge_index, "adj_matrix": adj_matrix,
            "gcn_w": gcn_w, "gcn_b": gcn_b, "aw_w": aw_w, "aw_b": aw_b}


def _gcn_conv(x_flat, batch_ei, gcn_w, gcn_b):
    # Faithful PyG GCNConv: add self-loops, symmetric normalization, linear, scatter-add, bias
    N = x_flat.shape[0]
    src = batch_ei[0]
    dst = batch_ei[1]
    loop = jnp.arange(N, dtype=batch_ei.dtype)
    src = jnp.concatenate([src, loop])
    dst = jnp.concatenate([dst, loop])
    deg = jnp.zeros((N,), dtype=x_flat.dtype).at[dst].add(1.0)
    dinv = jnp.where(deg > 0, 1.0 / jnp.sqrt(deg), 0.0)
    norm = dinv[src] * dinv[dst]
    h = x_flat @ gcn_w
    msg = h[src] * norm[:, None]
    out = jnp.zeros((N, h.shape[1]), dtype=x_flat.dtype).at[dst].add(msg)
    return out + gcn_b


def reference(x, edge_index, adj_matrix, gcn_w, gcn_b, aw_w, aw_b):
    bf, v, c = x.shape
    # adaptive adjacency branch (computed as in original; not consumed downstream)
    adaptive_adj = jnp.tanh(x.mean(axis=1) @ aw_w + aw_b)
    adaptive_adj = adaptive_adj.reshape(-1, v, v)
    adaptive_adj = jax.nn.softmax(adaptive_adj, axis=-1)
    combined_adj = adj_matrix[None, :, :] + adaptive_adj  # noqa: F841 (unused, as in original forward)
    x_flat = x.reshape(-1, c)
    offsets = jnp.arange(bf, dtype=edge_index.dtype) * v
    batch_ei = (edge_index[:, None, :] + offsets[None, :, None]).reshape(2, -1)
    x_gcn = _gcn_conv(x_flat, batch_ei, gcn_w, gcn_b)
    return x_gcn.reshape(bf, v, -1)

if __name__ == "__main__":
    import jax
    _d = setup_inputs()
    print(jax.jit(kernel)(*tuple(_d.values())))

</pallas_src>

<mosaic_0001>
#map = affine_map<(d0, d1) -> (0, 0)>
module attributes {stable_mosaic.version = 14 : i64} {
  func.func @_build_a_sc_body(%arg0: i32, %arg1: i32, %arg2: memref<2x128xi32, #tpu.memory_space<hbm>>, %arg3: memref<64x64xf32, #tpu.memory_space<hbm>>, %arg4: memref<2x128xi32, #tpu.memory_space<vmem>>, %arg5: memref<64xf32, #tpu.memory_space<vmem>>, %arg6: memref<64x64xf32, #tpu.memory_space<vmem>>) attributes {dimension_semantics = [#tpu.dimension_semantics<core_parallel>, #tpu.dimension_semantics<subcore_parallel>], iteration_bounds = array<i64: 1, 1>, scalar_prefetch = 0 : i64, scratch_operands = 3 : i64, tpu.core_type = #tpu.core_type<sc_vector_subcore>, window_params = [{transform_indices = #map}, {transform_indices = #map}]} {
    "tpu.region"() ({
      %run_scoped3A = tpu.sem_alloc : memref<!tpu.dma_semaphore, #tpu.memory_space<semaphore_mem>>
      tpu.enqueue_dma source(%arg2 : memref<2x128xi32, #tpu.memory_space<hbm>>) target(%arg4 : memref<2x128xi32, #tpu.memory_space<vmem>>) target_semaphore(%run_scoped3A : memref<!tpu.dma_semaphore, #tpu.memory_space<semaphore_mem>>)
      tpu.wait_dma2 semaphore(%run_scoped3A : memref<!tpu.dma_semaphore, #tpu.memory_space<semaphore_mem>>) src(%arg2 : memref<2x128xi32, #tpu.memory_space<hbm>>) dst(%arg4 : memref<2x128xi32, #tpu.memory_space<vmem>>)
      tpu.yield
    }) : () -> ()
    %broadcast_in_dim3A = arith.constant 0.000000e+00 : f32
    %broadcast_in_dim3A_0 = vector.broadcast %broadcast_in_dim3A : f32 to vector<16xf32>
    %scan3A = arith.constant 0 : i32
    %scan3A_1 = arith.constant 64 : i32
    %scan3A_2 = arith.addi %scan3A, %scan3A_1 : i32
    %scan3A_3 = arith.constant 1 : i32
    scf.for %scan3A_286 = %scan3A to %scan3A_2 step %scan3A_3  : i32 {
      %swap3A_287 = arith.index_cast %scan3A_286 : i32 to index
      %swap3A_288 = arith.constant 0 : index
      %swap3A_289 = tpu.vector_load %arg6[%swap3A_287, %swap3A_288] {strides = array<i32>} : memref<64x64xf32, #tpu.memory_space<vmem>>, vector<16xf32>,
      tpu.vector_store %arg6[%swap3A_287, %swap3A_288], %broadcast_in_dim3A_0 {strides = array<i32>} : memref<64x64xf32, #tpu.memory_space<vmem>>, vector<16xf32>,
      %swap3A_290 = arith.index_cast %scan3A_286 : i32 to index
      %swap3A_291 = arith.constant 16 : index
      %swap3A_292 = tpu.vector_load %arg6[%swap3A_290, %swap3A_291] {strides = array<i32>} : memref<64x64xf32, #tpu.memory_space<vmem>>, vector<16xf32>,
      tpu.vector_store %arg6[%swap3A_290, %swap3A_291], %broadcast_in_dim3A_0 {strides = array<i32>} : memref<64x64xf32, #tpu.memory_space<vmem>>, vector<16xf32>,
      %swap3A_293 = arith.index_cast %scan3A_286 : i32 to index
      %swap3A_294 = arith.constant 32 : index
      %swap3A_295 = tpu.vector_load %arg6[%swap3A_293, %swap3A_294] {strides = array<i32>} : memref<64x64xf32, #tpu.memory_space<vmem>>, vector<16xf32>,
      tpu.vector_store %arg6[%swap3A_293, %swap3A_294], %broadcast_in_dim3A_0 {strides = array<i32>} : memref<64x64xf32, #tpu.memory_space<vmem>>, vector<16xf32>,
      %swap3A_296 = arith.index_cast %scan3A_286 : i32 to index
      %swap3A_297 = arith.constant 48 : index
      %swap3A_298 = tpu.vector_load %arg6[%swap3A_296, %swap3A_297] {strides = array<i32>} : memref<64x64xf32, #tpu.memory_space<vmem>>, vector<16xf32>,
      tpu.vector_store %arg6[%swap3A_296, %swap3A_297], %broadcast_in_dim3A_0 {strides = array<i32>} : memref<64x64xf32, #tpu.memory_space<vmem>>, vector<16xf32>,
    }
    %scan3A_4 = arith.constant 64 : i32
    %broadcast_in_dim3A_5 = arith.constant 1.000000e+00 : f32
    %broadcast_in_dim3A_6 = vector.broadcast %broadcast_in_dim3A_5 : f32 to vector<16xf32>
    %swap3A = arith.constant 0 : index
    %swap3A_7 = tpu.vector_load %arg5[%swap3A] {strides = array<i32>} : memref<64xf32, #tpu.memory_space<vmem>>, vector<16xf32>,
    tpu.vector_store %arg5[%swap3A], %broadcast_in_dim3A_6 {strides = array<i32>} : memref<64xf32, #tpu.memory_space<vmem>>, vector<16xf32>,
    %swap3A_8 = arith.constant 16 : index
    %swap3A_9 = tpu.vector_load %arg5[%swap3A_8] {strides = array<i32>} : memref<64xf32, #tpu.memory_space<vmem>>, vector<16xf32>,
    tpu.vector_store %arg5[%swap3A_8], %broadcast_in_dim3A_6 {strides = array<i32>} : memref<64xf32, #tpu.memory_space<vmem>>, vector<16xf32>,
    %swap3A_10 = arith.constant 32 : index
    %swap3A_11 = tpu.vector_load %arg5[%swap3A_10] {strides = array<i32>} : memref<64xf32, #tpu.memory_space<vmem>>, vector<16xf32>,
    tpu.vector_store %arg5[%swap3A_10], %broadcast_in_dim3A_6 {strides = array<i32>} : memref<64xf32, #tpu.memory_space<vmem>>, vector<16xf32>,
    %swap3A_12 = arith.constant 48 : index
    %swap3A_13 = tpu.vector_load %arg5[%swap3A_12] {strides = array<i32>} : memref<64xf32, #tpu.memory_space<vmem>>, vector<16xf32>,
    tpu.vector_store %arg5[%swap3A_12], %broadcast_in_dim3A_6 {strides = array<i32>} : memref<64xf32, #tpu.memory_space<vmem>>, vector<16xf32>,
    %get3A = arith.constant 1 : i32
    %get3A_14 = arith.index_cast %get3A : i32 to index
    %get3A_15 = arith.constant 0 : index
    %get3A_16 = tpu.vector_load %arg4[%get3A_14, %get3A_15] {strides = array<i32>} : memref<2x128xi32, #tpu.memory_space<vmem>>, vector<16xi32>,
    tpu.vector_store_idx %arg5[%get3A_16], %broadcast_in_dim3A_6 {add = true} : memref<64xf32, #tpu.memory_space<vmem>>[vector<16xi32>], vector<16xf32>,
    %get3A_17 = arith.constant 1 : i32
    %get3A_18 = arith.index_cast %get3A_17 : i32 to index
    %get3A_19 = arith.constant 16 : index
    %get3A_20 = tpu.vector_load %arg4[%get3A_18, %get3A_19] {strides = array<i32>} : memref<2x128xi32, #tpu.memory_space<vmem>>, vector<16xi32>,
    tpu.vector_store_idx %arg5[%get3A_20], %broadcast_in_dim3A_6 {add = true} : memref<64xf32, #tpu.memory_space<vmem>>[vector<16xi32>], vector<16xf32>,
    %get3A_21 = arith.constant 1 : i32
    %get3A_22 = arith.index_cast %get3A_21 : i32 to index
    %get3A_23 = arith.constant 32 : index
    %get3A_24 = tpu.vector_load %arg4[%get3A_22, %get3A_23] {strides = array<i32>} : memref<2x128xi32, #tpu.memory_space<vmem>>, vector<16xi32>,
    tpu.vector_store_idx %arg5[%get3A_24], %broadcast_in_dim3A_6 {add = true} : memref<64xf32, #tpu.memory_space<vmem>>[vector<16xi32>], vector<16xf32>,
    %get3A_25 = arith.constant 1 : i32
    %get3A_26 = arith.index_cast %get3A_25 : i32 to index
    %get3A_27 = arith.constant 48 : index
    %get3A_28 = tpu.vector_load %arg4[%get3A_26, %get3A_27] {strides = array<i32>} : memref<2x128xi32, #tpu.memory_space<vmem>>, vector<16xi32>,
    tpu.vector_store_idx %arg5[%get3A_28], %broadcast_in_dim3A_6 {add = true} : memref<64xf32, #tpu.memory_space<vmem>>[vector<16xi32>], vector<16xf32>,
    %get3A_29 = arith.constant 1 : i32
    %get3A_30 = arith.index_cast %get3A_29 : i32 to index
    %get3A_31 = arith.constant 64 : index
    %get3A_32 = tpu.vector_load %arg4[%get3A_30, %get3A_31] {strides = array<i32>} : memref<2x128xi32, #tpu.memory_space<vmem>>, vector<16xi32>,
    tpu.vector_store_idx %arg5[%get3A_32], %broadcast_in_dim3A_6 {add = true} : memref<64xf32, #tpu.memory_space<vmem>>[vector<16xi32>], vector<16xf32>,
    %get3A_33 = arith.constant 1 : i32
    %get3A_34 = arith.index_cast %get3A_33 : i32 to index
    %get3A_35 = arith.constant 80 : index
    %get3A_36 = tpu.vector_load %arg4[%get3A_34, %get3A_35] {strides = array<i32>} : memref<2x128xi32, #tpu.memory_space<vmem>>, vector<16xi32>,
    tpu.vector_store_idx %arg5[%get3A_36], %broadcast_in_dim3A_6 {add = true} : memref<64xf32, #tpu.memory_space<vmem>>[vector<16xi32>], vector<16xf32>,
    %get3A_37 = arith.constant 1 : i32
    %get3A_38 = arith.index_cast %get3A_37 : i32 to index
    %get3A_39 = arith.constant 96 : index
    %get3A_40 = tpu.vector_load %arg4[%get3A_38, %get3A_39] {strides = array<i32>} : memref<2x128xi32, #tpu.memory_space<vmem>>, vector<16xi32>,
    tpu.vector_store_idx %arg5[%get3A_40], %broadcast_in_dim3A_6 {add = true} : memref<64xf32, #tpu.memory_space<vmem>>[vector<16xi32>], vector<16xf32>,
    %get3A_41 = arith.constant 1 : i32
    %get3A_42 = arith.index_cast %get3A_41 : i32 to index
    %get3A_43 = arith.constant 112 : index
    %get3A_44 = tpu.vector_load %arg4[%get3A_42, %get3A_43] {strides = array<i32>} : memref<2x128xi32, #tpu.memory_space<vmem>>, vector<16xi32>,
    tpu.vector_store_idx %arg5[%get3A_44], %broadcast_in_dim3A_6 {add = true} : memref<64xf32, #tpu.memory_space<vmem>>[vector<16xi32>], vector<16xf32>,
    %get3A_45 = arith.constant 0 : index
    %get3A_46 = tpu.vector_load %arg5[%get3A_45] {strides = array<i32>} : memref<64xf32, #tpu.memory_space<vmem>>, vector<16xf32>,
    %broadcast_in_dim3A_47 = arith.constant 1597463007 : i32
    %broadcast_in_dim3A_48 = vector.broadcast %broadcast_in_dim3A_47 : i32 to vector<16xi32>
    %bitcast3A = vector.bitcast %get3A_46 : vector<16xf32> to vector<16xi32>
    %shift_right_arithmetic3A = arith.constant 1 : i32
    %shift_right_arithmetic3A_49 = vector.broadcast %shift_right_arithmetic3A : i32 to vector<16xi32>
    %shift_right_arithmetic3A_50 = arith.shrsi %bitcast3A, %shift_right_arithmetic3A_49 : vector<16xi32>
    %sub3A = arith.subi %broadcast_in_dim3A_48, %shift_right_arithmetic3A_50 : vector<16xi32>
    %bitcast3A_51 = vector.bitcast %sub3A : vector<16xi32> to vector<16xf32>
    %mul3A = arith.constant 5.000000e-01 : f32
    %mul3A_52 = vector.broadcast %mul3A : f32 to vector<16xf32>
    %mul3A_53 = arith.mulf %get3A_46, %mul3A_52 : vector<16xf32>
    %mul3A_54 = arith.mulf %mul3A_53, %bitcast3A_51 : vector<16xf32>
    %mul3A_55 = arith.mulf %mul3A_54, %bitcast3A_51 : vector<16xf32>
    %sub3A_56 = arith.constant 1.500000e+00 : f32
    %sub3A_57 = vector.broadcast %sub3A_56 : f32 to vector<16xf32>
    %sub3A_58 = arith.subf %sub3A_57, %mul3A_55 : vector<16xf32>
    %mul3A_59 = arith.mulf %bitcast3A_51, %sub3A_58 : vector<16xf32>
    %mul3A_60 = arith.mulf %mul3A_53, %mul3A_59 : vector<16xf32>
    %mul3A_61 = arith.mulf %mul3A_60, %mul3A_59 : vector<16xf32>
    %sub3A_62 = arith.constant 1.500000e+00 : f32
    %sub3A_63 = vector.broadcast %sub3A_62 : f32 to vector<16xf32>
    %sub3A_64 = arith.subf %sub3A_63, %mul3A_61 : vector<16xf32>
    %mul3A_65 = arith.mulf %mul3A_59, %sub3A_64 : vector<16xf32>
    %mul3A_66 = arith.mulf %mul3A_53, %mul3A_65 : vector<16xf32>
    %mul3A_67 = arith.mulf %mul3A_66, %mul3A_65 : vector<16xf32>
    %sub3A_68 = arith.constant 1.500000e+00 : f32
    %sub3A_69 = vector.broadcast %sub3A_68 : f32 to vector<16xf32>
    %sub3A_70 = arith.subf %sub3A_69, %mul3A_67 : vector<16xf32>
    %mul3A_71 = arith.mulf %mul3A_65, %sub3A_70 : vector<16xf32>
    %swap3A_72 = arith.constant 0 : index
    %swap3A_73 = tpu.vector_load %arg5[%swap3A_72] {strides = array<i32>} : memref<64xf32, #tpu.memory_space<vmem>>, vector<16xf32>,
    tpu.vector_store %arg5[%swap3A_72], %mul3A_71 {strides = array<i32>} : memref<64xf32, #tpu.memory_space<vmem>>, vector<16xf32>,
    %get3A_74 = arith.constant 16 : index
    %get3A_75 = tpu.vector_load %arg5[%get3A_74] {strides = array<i32>} : memref<64xf32, #tpu.memory_space<vmem>>, vector<16xf32>,
    %broadcast_in_dim3A_76 = arith.constant 1597463007 : i32
    %broadcast_in_dim3A_77 = vector.broadcast %broadcast_in_dim3A_76 : i32 to vector<16xi32>
    %bitcast3A_78 = vector.bitcast %get3A_75 : vector<16xf32> to vector<16xi32>
    %shift_right_arithmetic3A_79 = arith.constant 1 : i32
    %shift_right_arithmetic3A_80 = vector.broadcast %shift_right_arithmetic3A_79 : i32 to vector<16xi32>
    %shift_right_arithmetic3A_81 = arith.shrsi %bitcast3A_78, %shift_right_arithmetic3A_80 : vector<16xi32>
    %sub3A_82 = arith.subi %broadcast_in_dim3A_77, %shift_right_arithmetic3A_81 : vector<16xi32>
    %bitcast3A_83 = vector.bitcast %sub3A_82 : vector<16xi32> to vector<16xf32>
    %mul3A_84 = arith.constant 5.000000e-01 : f32
    %mul3A_85 = vector.broadcast %mul3A_84 : f32 to vector<16xf32>
    %mul3A_86 = arith.mulf %get3A_75, %mul3A_85 : vector<16xf32>
    %mul3A_87 = arith.mulf %mul3A_86, %bitcast3A_83 : vector<16xf32>
    %mul3A_88 = arith.mulf %mul3A_87, %bitcast3A_83 : vector<16xf32>
    %sub3A_89 = arith.constant 1.500000e+00 : f32
    %sub3A_90 = vector.broadcast %sub3A_89 : f32 to vector<16xf32>
    %sub3A_91 = arith.subf %sub3A_90, %mul3A_88 : vector<16xf32>
    %mul3A_92 = arith.mulf %bitcast3A_83, %sub3A_91 : vector<16xf32>
    %mul3A_93 = arith.mulf %mul3A_86, %mul3A_92 : vector<16xf32>
    %mul3A_94 = arith.mulf %mul3A_93, %mul3A_92 : vector<16xf32>
    %sub3A_95 = arith.constant 1.500000e+00 : f32
    %sub3A_96 = vector.broadcast %sub3A_95 : f32 to vector<16xf32>
    %sub3A_97 = arith.subf %sub3A_96, %mul3A_94 : vector<16xf32>
    %mul3A_98 = arith.mulf %mul3A_92, %sub3A_97 : vector<16xf32>
    %mul3A_99 = arith.mulf %mul3A_86, %mul3A_98 : vector<16xf32>
    %mul3A_100 = arith.mulf %mul3A_99, %mul3A_98 : vector<16xf32>
    %sub3A_101 = arith.constant 1.500000e+00 : f32
    %sub3A_102 = vector.broadcast %sub3A_101 : f32 to vector<16xf32>
    %sub3A_103 = arith.subf %sub3A_102, %mul3A_100 : vector<16xf32>
    %mul3A_104 = arith.mulf %mul3A_98, %sub3A_103 : vector<16xf32>
    %swap3A_105 = arith.constant 16 : index
    %swap3A_106 = tpu.vector_load %arg5[%swap3A_105] {strides = array<i32>} : memref<64xf32, #tpu.memory_space<vmem>>, vector<16xf32>,
    tpu.vector_store %arg5[%swap3A_105], %mul3A_104 {strides = array<i32>} : memref<64xf32, #tpu.memory_space<vmem>>, vector<16xf32>,
    %get3A_107 = arith.constant 32 : index
    %get3A_108 = tpu.vector_load %arg5[%get3A_107] {strides = array<i32>} : memref<64xf32, #tpu.memory_space<vmem>>, vector<16xf32>,
    %broadcast_in_dim3A_109 = arith.constant 1597463007 : i32
    %broadcast_in_dim3A_110 = vector.broadcast %broadcast_in_dim3A_109 : i32 to vector<16xi32>
    %bitcast3A_111 = vector.bitcast %get3A_108 : vector<16xf32> to vector<16xi32>
    %shift_right_arithmetic3A_112 = arith.constant 1 : i32
    %shift_right_arithmetic3A_113 = vector.broadcast %shift_right_arithmetic3A_112 : i32 to vector<16xi32>
    %shift_right_arithmetic3A_114 = arith.shrsi %bitcast3A_111, %shift_right_arithmetic3A_113 : vector<16xi32>
    %sub3A_115 = arith.subi %broadcast_in_dim3A_110, %shift_right_arithmetic3A_114 : vector<16xi32>
    %bitcast3A_116 = vector.bitcast %sub3A_115 : vector<16xi32> to vector<16xf32>
    %mul3A_117 = arith.constant 5.000000e-01 : f32
    %mul3A_118 = vector.broadcast %mul3A_117 : f32 to vector<16xf32>
    %mul3A_119 = arith.mulf %get3A_108, %mul3A_118 : vector<16xf32>
    %mul3A_120 = arith.mulf %mul3A_119, %bitcast3A_116 : vector<16xf32>
    %mul3A_121 = arith.mulf %mul3A_120, %bitcast3A_116 : vector<16xf32>
    %sub3A_122 = arith.constant 1.500000e+00 : f32
    %sub3A_123 = vector.broadcast %sub3A_122 : f32 to vector<16xf32>
    %sub3A_124 = arith.subf %sub3A_123, %mul3A_121 : vector<16xf32>
    %mul3A_125 = arith.mulf %bitcast3A_116, %sub3A_124 : vector<16xf32>
    %mul3A_126 = arith.mulf %mul3A_119, %mul3A_125 : vector<16xf32>
    %mul3A_127 = arith.mulf %mul3A_126, %mul3A_125 : vector<16xf32>
    %sub3A_128 = arith.constant 1.500000e+00 : f32
    %sub3A_129 = vector.broadcast %sub3A_128 : f32 to vector<16xf32>
    %sub3A_130 = arith.subf %sub3A_129, %mul3A_127 : vector<16xf32>
    %mul3A_131 = arith.mulf %mul3A_125, %sub3A_130 : vector<16xf32>
    %mul3A_132 = arith.mulf %mul3A_119, %mul3A_131 : vector<16xf32>
    %mul3A_133 = arith.mulf %mul3A_132, %mul3A_131 : vector<16xf32>
    %sub3A_134 = arith.constant 1.500000e+00 : f32
    %sub3A_135 = vector.broadcast %sub3A_134 : f32 to vector<16xf32>
    %sub3A_136 = arith.subf %sub3A_135, %mul3A_133 : vector<16xf32>
    %mul3A_137 = arith.mulf %mul3A_131, %sub3A_136 : vector<16xf32>
    %swap3A_138 = arith.constant 32 : index
    %swap3A_139 = tpu.vector_load %arg5[%swap3A_138] {strides = array<i32>} : memref<64xf32, #tpu.memory_space<vmem>>, vector<16xf32>,
    tpu.vector_store %arg5[%swap3A_138], %mul3A_137 {strides = array<i32>} : memref<64xf32, #tpu.memory_space<vmem>>, vector<16xf32>,
    %get3A_140 = arith.constant 48 : index
    %get3A_141 = tpu.vector_load %arg5[%get3A_140] {strides = array<i32>} : memref<64xf32, #tpu.memory_space<vmem>>, vector<16xf32>,
    %broadcast_in_dim3A_142 = arith.constant 1597463007 : i32
    %broadcast_in_dim3A_143 = vector.broadcast %broadcast_in_dim3A_142 : i32 to vector<16xi32>
    %bitcast3A_144 = vector.bitcast %get3A_141 : vector<16xf32> to vector<16xi32>
    %shift_right_arithmetic3A_145 = arith.constant 1 : i32
    %shift_right_arithmetic3A_146 = vector.broadcast %shift_right_arithmetic3A_145 : i32 to vector<16xi32>
    %shift_right_arithmetic3A_147 = arith.shrsi %bitcast3A_144, %shift_right_arithmetic3A_146 : vector<16xi32>
    %sub3A_148 = arith.subi %broadcast_in_dim3A_143, %shift_right_arithmetic3A_147 : vector<16xi32>
    %bitcast3A_149 = vector.bitcast %sub3A_148 : vector<16xi32> to vector<16xf32>
    %mul3A_150 = arith.constant 5.000000e-01 : f32
    %mul3A_151 = vector.broadcast %mul3A_150 : f32 to vector<16xf32>
    %mul3A_152 = arith.mulf %get3A_141, %mul3A_151 : vector<16xf32>
    %mul3A_153 = arith.mulf %mul3A_152, %bitcast3A_149 : vector<16xf32>
    %mul3A_154 = arith.mulf %mul3A_153, %bitcast3A_149 : vector<16xf32>
    %sub3A_155 = arith.constant 1.500000e+00 : f32
    %sub3A_156 = vector.broadcast %sub3A_155 : f32 to vector<16xf32>
    %sub3A_157 = arith.subf %sub3A_156, %mul3A_154 : vector<16xf32>
    %mul3A_158 = arith.mulf %bitcast3A_149, %sub3A_157 : vector<16xf32>
    %mul3A_159 = arith.mulf %mul3A_152, %mul3A_158 : vector<16xf32>
    %mul3A_160 = arith.mulf %mul3A_159, %mul3A_158 : vector<16xf32>
    %sub3A_161 = arith.constant 1.500000e+00 : f32
    %sub3A_162 = vector.broadcast %sub3A_161 : f32 to vector<16xf32>
    %sub3A_163 = arith.subf %sub3A_162, %mul3A_160 : vector<16xf32>
    %mul3A_164 = arith.mulf %mul3A_158, %sub3A_163 : vector<16xf32>
    %mul3A_165 = arith.mulf %mul3A_152, %mul3A_164 : vector<16xf32>
    %mul3A_166 = arith.mulf %mul3A_165, %mul3A_164 : vector<16xf32>
    %sub3A_167 = arith.constant 1.500000e+00 : f32
    %sub3A_168 = vector.broadcast %sub3A_167 : f32 to vector<16xf32>
    %sub3A_169 = arith.subf %sub3A_168, %mul3A_166 : vector<16xf32>
    %mul3A_170 = arith.mulf %mul3A_164, %sub3A_169 : vector<16xf32>
    %swap3A_171 = arith.constant 48 : index
    %swap3A_172 = tpu.vector_load %arg5[%swap3A_171] {strides = array<i32>} : memref<64xf32, #tpu.memory_space<vmem>>, vector<16xf32>,
    tpu.vector_store %arg5[%swap3A_171], %mul3A_170 {strides = array<i32>} : memref<64xf32, #tpu.memory_space<vmem>>, vector<16xf32>,
    %get3A_173 = arith.constant 0 : i32
    %get3A_174 = arith.index_cast %get3A_173 : i32 to index
    %get3A_175 = arith.constant 0 : index
    %get3A_176 = tpu.vector_load %arg4[%get3A_174, %get3A_175] {strides = array<i32>} : memref<2x128xi32, #tpu.memory_space<vmem>>, vector<16xi32>,
    %get3A_177 = arith.constant 1 : i32
    %get3A_178 = arith.index_cast %get3A_177 : i32 to index
    %get3A_179 = arith.constant 0 : index
    %get3A_180 = tpu.vector_load %arg4[%get3A_178, %get3A_179] {strides = array<i32>} : memref<2x128xi32, #tpu.memory_space<vmem>>, vector<16xi32>,
    %gather3A = tpu.vector_load_idx %arg5[%get3A_176] : memref<64xf32, #tpu.memory_space<vmem>>[vector<16xi32>], vector<16xf32>,
    %gather3A_181 = tpu.vector_load_idx %arg5[%get3A_180] : memref<64xf32, #tpu.memory_space<vmem>>[vector<16xi32>], vector<16xf32>,
    %mul3A_182 = arith.mulf %gather3A, %gather3A_181 : vector<16xf32>
    tpu.vector_store_idx %arg6[%get3A_180, %get3A_176], %mul3A_182 {add = true} : memref<64x64xf32, #tpu.memory_space<vmem>>[vector<16xi32>, vector<16xi32>], vector<16xf32>,
    %get3A_183 = arith.constant 0 : i32
    %get3A_184 = arith.index_cast %get3A_183 : i32 to index
    %get3A_185 = arith.constant 16 : index
    %get3A_186 = tpu.vector_load %arg4[%get3A_184, %get3A_185] {strides = array<i32>} : memref<2x128xi32, #tpu.memory_space<vmem>>, vector<16xi32>,
    %get3A_187 = arith.constant 1 : i32
    %get3A_188 = arith.index_cast %get3A_187 : i32 to index
    %get3A_189 = arith.constant 16 : index
    %get3A_190 = tpu.vector_load %arg4[%get3A_188, %get3A_189] {strides = array<i32>} : memref<2x128xi32, #tpu.memory_space<vmem>>, vector<16xi32>,
    %gather3A_191 = tpu.vector_load_idx %arg5[%get3A_186] : memref<64xf32, #tpu.memory_space<vmem>>[vector<16xi32>], vector<16xf32>,
    %gather3A_192 = tpu.vector_load_idx %arg5[%get3A_190] : memref<64xf32, #tpu.memory_space<vmem>>[vector<16xi32>], vector<16xf32>,
    %mul3A_193 = arith.mulf %gather3A_191, %gather3A_192 : vector<16xf32>
    tpu.vector_store_idx %arg6[%get3A_190, %get3A_186], %mul3A_193 {add = true} : memref<64x64xf32, #tpu.memory_space<vmem>>[vector<16xi32>, vector<16xi32>], vector<16xf32>,
    %get3A_194 = arith.constant 0 : i32
    %get3A_195 = arith.index_cast %get3A_194 : i32 to index
    %get3A_196 = arith.constant 32 : index
    %get3A_197 = tpu.vector_load %arg4[%get3A_195, %get3A_196] {strides = array<i32>} : memref<2x128xi32, #tpu.memory_space<vmem>>, vector<16xi32>,
    %get3A_198 = arith.constant 1 : i32
    %get3A_199 = arith.index_cast %get3A_198 : i32 to index
    %get3A_200 = arith.constant 32 : index
    %get3A_201 = tpu.vector_load %arg4[%get3A_199, %get3A_200] {strides = array<i32>} : memref<2x128xi32, #tpu.memory_space<vmem>>, vector<16xi32>,
    %gather3A_202 = tpu.vector_load_idx %arg5[%get3A_197] : memref<64xf32, #tpu.memory_space<vmem>>[vector<16xi32>], vector<16xf32>,
    %gather3A_203 = tpu.vector_load_idx %arg5[%get3A_201] : memref<64xf32, #tpu.memory_space<vmem>>[vector<16xi32>], vector<16xf32>,
    %mul3A_204 = arith.mulf %gather3A_202, %gather3A_203 : vector<16xf32>
    tpu.vector_store_idx %arg6[%get3A_201, %get3A_197], %mul3A_204 {add = true} : memref<64x64xf32, #tpu.memory_space<vmem>>[vector<16xi32>, vector<16xi32>], vector<16xf32>,
    %get3A_205 = arith.constant 0 : i32
    %get3A_206 = arith.index_cast %get3A_205 : i32 to index
    %get3A_207 = arith.constant 48 : index
    %get3A_208 = tpu.vector_load %arg4[%get3A_206, %get3A_207] {strides = array<i32>} : memref<2x128xi32, #tpu.memory_space<vmem>>, vector<16xi32>,
    %get3A_209 = arith.constant 1 : i32
    %get3A_210 = arith.index_cast %get3A_209 : i32 to index
    %get3A_211 = arith.constant 48 : index
    %get3A_212 = tpu.vector_load %arg4[%get3A_210, %get3A_211] {strides = array<i32>} : memref<2x128xi32, #tpu.memory_space<vmem>>, vector<16xi32>,
    %gather3A_213 = tpu.vector_load_idx %arg5[%get3A_208] : memref<64xf32, #tpu.memory_space<vmem>>[vector<16xi32>], vector<16xf32>,
    %gather3A_214 = tpu.vector_load_idx %arg5[%get3A_212] : memref<64xf32, #tpu.memory_space<vmem>>[vector<16xi32>], vector<16xf32>,
    %mul3A_215 = arith.mulf %gather3A_213, %gather3A_214 : vector<16xf32>
    tpu.vector_store_idx %arg6[%get3A_212, %get3A_208], %mul3A_215 {add = true} : memref<64x64xf32, #tpu.memory_space<vmem>>[vector<16xi32>, vector<16xi32>], vector<16xf32>,
    %get3A_216 = arith.constant 0 : i32
    %get3A_217 = arith.index_cast %get3A_216 : i32 to index
    %get3A_218 = arith.constant 64 : index
    %get3A_219 = tpu.vector_load %arg4[%get3A_217, %get3A_218] {strides = array<i32>} : memref<2x128xi32, #tpu.memory_space<vmem>>, vector<16xi32>,
    %get3A_220 = arith.constant 1 : i32
    %get3A_221 = arith.index_cast %get3A_220 : i32 to index
    %get3A_222 = arith.constant 64 : index
    %get3A_223 = tpu.vector_load %arg4[%get3A_221, %get3A_222] {strides = array<i32>} : memref<2x128xi32, #tpu.memory_space<vmem>>, vector<16xi32>,
    %gather3A_224 = tpu.vector_load_idx %arg5[%get3A_219] : memref<64xf32, #tpu.memory_space<vmem>>[vector<16xi32>], vector<16xf32>,
    %gather3A_225 = tpu.vector_load_idx %arg5[%get3A_223] : memref<64xf32, #tpu.memory_space<vmem>>[vector<16xi32>], vector<16xf32>,
    %mul3A_226 = arith.mulf %gather3A_224, %gather3A_225 : vector<16xf32>
    tpu.vector_store_idx %arg6[%get3A_223, %get3A_219], %mul3A_226 {add = true} : memref<64x64xf32, #tpu.memory_space<vmem>>[vector<16xi32>, vector<16xi32>], vector<16xf32>,
    %get3A_227 = arith.constant 0 : i32
    %get3A_228 = arith.index_cast %get3A_227 : i32 to index
    %get3A_229 = arith.constant 80 : index
    %get3A_230 = tpu.vector_load %arg4[%get3A_228, %get3A_229] {strides = array<i32>} : memref<2x128xi32, #tpu.memory_space<vmem>>, vector<16xi32>,
    %get3A_231 = arith.constant 1 : i32
    %get3A_232 = arith.index_cast %get3A_231 : i32 to index
    %get3A_233 = arith.constant 80 : index
    %get3A_234 = tpu.vector_load %arg4[%get3A_232, %get3A_233] {strides = array<i32>} : memref<2x128xi32, #tpu.memory_space<vmem>>, vector<16xi32>,
    %gather3A_235 = tpu.vector_load_idx %arg5[%get3A_230] : memref<64xf32, #tpu.memory_space<vmem>>[vector<16xi32>], vector<16xf32>,
    %gather3A_236 = tpu.vector_load_idx %arg5[%get3A_234] : memref<64xf32, #tpu.memory_space<vmem>>[vector<16xi32>], vector<16xf32>,
    %mul3A_237 = arith.mulf %gather3A_235, %gather3A_236 : vector<16xf32>
    tpu.vector_store_idx %arg6[%get3A_234, %get3A_230], %mul3A_237 {add = true} : memref<64x64xf32, #tpu.memory_space<vmem>>[vector<16xi32>, vector<16xi32>], vector<16xf32>,
    %get3A_238 = arith.constant 0 : i32
    %get3A_239 = arith.index_cast %get3A_238 : i32 to index
    %get3A_240 = arith.constant 96 : index
    %get3A_241 = tpu.vector_load %arg4[%get3A_239, %get3A_240] {strides = array<i32>} : memref<2x128xi32, #tpu.memory_space<vmem>>, vector<16xi32>,
    %get3A_242 = arith.constant 1 : i32
    %get3A_243 = arith.index_cast %get3A_242 : i32 to index
    %get3A_244 = arith.constant 96 : index
    %get3A_245 = tpu.vector_load %arg4[%get3A_243, %get3A_244] {strides = array<i32>} : memref<2x128xi32, #tpu.memory_space<vmem>>, vector<16xi32>,
    %gather3A_246 = tpu.vector_load_idx %arg5[%get3A_241] : memref<64xf32, #tpu.memory_space<vmem>>[vector<16xi32>], vector<16xf32>,
    %gather3A_247 = tpu.vector_load_idx %arg5[%get3A_245] : memref<64xf32, #tpu.memory_space<vmem>>[vector<16xi32>], vector<16xf32>,
    %mul3A_248 = arith.mulf %gather3A_246, %gather3A_247 : vector<16xf32>
    tpu.vector_store_idx %arg6[%get3A_245, %get3A_241], %mul3A_248 {add = true} : memref<64x64xf32, #tpu.memory_space<vmem>>[vector<16xi32>, vector<16xi32>], vector<16xf32>,
    %get3A_249 = arith.constant 0 : i32
    %get3A_250 = arith.index_cast %get3A_249 : i32 to index
    %get3A_251 = arith.constant 112 : index
    %get3A_252 = tpu.vector_load %arg4[%get3A_250, %get3A_251] {strides = array<i32>} : memref<2x128xi32, #tpu.memory_space<vmem>>, vector<16xi32>,
    %get3A_253 = arith.constant 1 : i32
    %get3A_254 = arith.index_cast %get3A_253 : i32 to index
    %get3A_255 = arith.constant 112 : index
    %get3A_256 = tpu.vector_load %arg4[%get3A_254, %get3A_255] {strides = array<i32>} : memref<2x128xi32, #tpu.memory_space<vmem>>, vector<16xi32>,
    %gather3A_257 = tpu.vector_load_idx %arg5[%get3A_252] : memref<64xf32, #tpu.memory_space<vmem>>[vector<16xi32>], vector<16xf32>,
    %gather3A_258 = tpu.vector_load_idx %arg5[%get3A_256] : memref<64xf32, #tpu.memory_space<vmem>>[vector<16xi32>], vector<16xf32>,
    %mul3A_259 = arith.mulf %gather3A_257, %gather3A_258 : vector<16xf32>
    tpu.vector_store_idx %arg6[%get3A_256, %get3A_252], %mul3A_259 {add = true} : memref<64x64xf32, #tpu.memory_space<vmem>>[vector<16xi32>, vector<16xi32>], vector<16xf32>,
    %get3A_260 = arith.constant 0 : index
    %get3A_261 = tpu.vector_load %arg5[%get3A_260] {strides = array<i32>} : memref<64xf32, #tpu.memory_space<vmem>>, vector<16xf32>,
    %iota3A = tpu.iota {dimensions = array<i32: 0>} : vector<16xi32>
    %add3A = arith.constant 0 : i32
    %add3A_262 = vector.broadcast %add3A : i32 to vector<16xi32>
    %add3A_263 = arith.addi %iota3A, %add3A_262 : vector<16xi32>
    %mul3A_264 = arith.mulf %get3A_261, %get3A_261 : vector<16xf32>
    tpu.vector_store_idx %arg6[%add3A_263, %add3A_263], %mul3A_264 {add = true} : memref<64x64xf32, #tpu.memory_space<vmem>>[vector<16xi32>, vector<16xi32>], vector<16xf32>,
    %get3A_265 = arith.constant 16 : index
    %get3A_266 = tpu.vector_load %arg5[%get3A_265] {strides = array<i32>} : memref<64xf32, #tpu.memory_space<vmem>>, vector<16xf32>,
    %iota3A_267 = tpu.iota {dimensions = array<i32: 0>} : vector<16xi32>
    %add3A_268 = arith.constant 16 : i32
    %add3A_269 = vector.broadcast %add3A_268 : i32 to vector<16xi32>
    %add3A_270 = arith.addi %iota3A_267, %add3A_269 : vector<16xi32>
    %mul3A_271 = arith.mulf %get3A_266, %get3A_266 : vector<16xf32>
    tpu.vector_store_idx %arg6[%add3A_270, %add3A_270], %mul3A_271 {add = true} : memref<64x64xf32, #tpu.memory_space<vmem>>[vector<16xi32>, vector<16xi32>], vector<16xf32>,
    %get3A_272 = arith.constant 32 : index
    %get3A_273 = tpu.vector_load %arg5[%get3A_272] {strides = array<i32>} : memref<64xf32, #tpu.memory_space<vmem>>, vector<16xf32>,
    %iota3A_274 = tpu.iota {dimensions = array<i32: 0>} : vector<16xi32>
    %add3A_275 = arith.constant 32 : i32
    %add3A_276 = vector.broadcast %add3A_275 : i32 to vector<16xi32>
    %add3A_277 = arith.addi %iota3A_274, %add3A_276 : vector<16xi32>
    %mul3A_278 = arith.mulf %get3A_273, %get3A_273 : vector<16xf32>
    tpu.vector_store_idx %arg6[%add3A_277, %add3A_277], %mul3A_278 {add = true} : memref<64x64xf32, #tpu.memory_space<vmem>>[vector<16xi32>, vector<16xi32>], vector<16xf32>,
    %get3A_279 = arith.constant 48 : index
    %get3A_280 = tpu.vector_load %arg5[%get3A_279] {strides = array<i32>} : memref<64xf32, #tpu.memory_space<vmem>>, vector<16xf32>,
    %iota3A_281 = tpu.iota {dimensions = array<i32: 0>} : vector<16xi32>
    %add3A_282 = arith.constant 48 : i32
    %add3A_283 = vector.broadcast %add3A_282 : i32 to vector<16xi32>
    %add3A_284 = arith.addi %iota3A_281, %add3A_283 : vector<16xi32>
    %mul3A_285 = arith.mulf %get3A_280, %get3A_280 : vector<16xf32>
    tpu.vector_store_idx %arg6[%add3A_284, %add3A_284], %mul3A_285 {add = true} : memref<64x64xf32, #tpu.memory_space<vmem>>[vector<16xi32>, vector<16xi32>], vector<16xf32>,
    "tpu.region"() ({
      %run_scoped3A = tpu.sem_alloc : memref<!tpu.dma_semaphore, #tpu.memory_space<semaphore_mem>>
      tpu.enqueue_dma source(%arg6 : memref<64x64xf32, #tpu.memory_space<vmem>>) target(%arg3 : memref<64x64xf32, #tpu.memory_space<hbm>>) target_semaphore(%run_scoped3A : memref<!tpu.dma_semaphore, #tpu.memory_space<semaphore_mem>>)
      tpu.wait_dma2 semaphore(%run_scoped3A : memref<!tpu.dma_semaphore, #tpu.memory_space<semaphore_mem>>) src(%arg6 : memref<64x64xf32, #tpu.memory_space<vmem>>) dst(%arg3 : memref<64x64xf32, #tpu.memory_space<hbm>>)
      tpu.yield
    }) : () -> ()
    return
  }
}

module attributes {stable_mosaic.version = 14 : i64} {
  func.func @_gcn_body(%arg0: i32, %arg1: memref<64x64xf32, #tpu.memory_space<vmem>>, %arg2: memref<128x128xf32, #tpu.memory_space<vmem>>, %arg3: memref<1x128xf32, #tpu.memory_space<vmem>>, %arg4: memref<256x64x128xf32, #tpu.memory_space<vmem>>, %arg5: memref<256x64x128xf32, #tpu.memory_space<vmem>>) attributes {dimension_semantics = [#tpu.dimension_semantics<parallel>], iteration_bounds = array<i64: 16>, scalar_prefetch = 0 : i64, scratch_operands = 0 : i64, tpu.core_type = #tpu.core_type<tc>, window_params = [{pipeline_mode = #tpu.pipeline_mode<synchronous>, transform_indices = @transform_0, window_bounds = array<i64: 64, 64>}, {pipeline_mode = #tpu.pipeline_mode<synchronous>, transform_indices = @transform_1, window_bounds = array<i64: 128, 128>}, {pipeline_mode = #tpu.pipeline_mode<synchronous>, transform_indices = @transform_2, window_bounds = array<i64: 1, 128>}, {transform_indices = @transform_3, window_bounds = array<i64: 256, 64, 128>}, {transform_indices = @transform_4, window_bounds = array<i64: 256, 64, 128>}]} {
    %get3A = arith.constant 0 : index
    %get3A_0 = arith.constant 0 : index
    %get3A_1 = arith.constant 0 : index
    %get3A_2 = vector.load %arg4[%get3A, %get3A_0, %get3A_1] : memref<256x64x128xf32, #tpu.memory_space<vmem>>, vector<256x64x128xf32>
    %reshape3A = vector.shape_cast %get3A_2 : vector<256x64x128xf32> to vector<16384x128xf32>
    %get3A_3 = arith.constant 0 : index
    %get3A_4 = arith.constant 0 : index
    %get3A_5 = vector.load %arg2[%get3A_3, %get3A_4] : memref<128x128xf32, #tpu.memory_space<vmem>>, vector<128x128xf32>
    %dot_general3A = arith.constant dense<0.000000e+00> : vector<16384x128xf32>
    %dot_general3A_6 = tpu.matmul %reshape3A, %get3A_5, %dot_general3A {dimension_numbers = #tpu.dot_dimension_numbers<[1], [0], [0], [1], [0, 0, 1, 1], [], []>, transpose_lhs_hint = false} : vector<16384x128xf32>, vector<128x128xf32>, vector<16384x128xf32> -> vector<16384x128xf32>
    %reshape3A_7 = vector.shape_cast %dot_general3A_6 : vector<16384x128xf32> to vector<256x64x128xf32>
    %get3A_8 = arith.constant 0 : index
    %get3A_9 = arith.constant 0 : index
    %get3A_10 = vector.load %arg1[%get3A_8, %get3A_9] : memref<64x64xf32, #tpu.memory_space<vmem>>, vector<64x64xf32>
    %broadcast_in_dim3A = vector.shape_cast %get3A_10 : vector<64x64xf32> to vector<1x64x64xf32>
    %broadcast_in_dim3A_11 = vector.shape_cast %broadcast_in_dim3A : vector<1x64x64xf32> to vector<1x64x64xf32>
    %broadcast_in_dim3A_12 = vector.broadcast %broadcast_in_dim3A_11 : vector<1x64x64xf32> to vector<256x64x64xf32>
    %dot_general3A_13 = arith.constant dense<0.000000e+00> : vector<256x64x128xf32>
    %dot_general3A_14 = tpu.matmul %broadcast_in_dim3A_12, %reshape3A_7, %dot_general3A_13 {dimension_numbers = #tpu.dot_dimension_numbers<[2], [1], [1], [2], [0, 0, 0, 1, 1, 2], [0], [0]>, transpose_lhs_hint = false} : vector<256x64x64xf32>, vector<256x64x128xf32>, vector<256x64x128xf32> -> vector<256x64x128xf32>
    %get3A_15 = arith.constant 0 : index
    %get3A_16 = arith.constant 0 : index
    %get3A_17 = vector.load %arg3[%get3A_15, %get3A_16] : memref<1x128xf32, #tpu.memory_space<vmem>>, vector<1x128xf32>
    %broadcast_in_dim3A_18 = vector.shape_cast %get3A_17 : vector<1x128xf32> to vector<1x1x128xf32>
    %add3A = vector.broadcast %broadcast_in_dim3A_18 : vector<1x1x128xf32> to vector<256x64x128xf32>
    %add3A_19 = arith.addf %dot_general3A_14, %add3A : vector<256x64x128xf32>
    %swap3A = arith.constant 0 : index
    %swap3A_20 = arith.constant 0 : index
    %swap3A_21 = arith.constant 0 : index
    %swap3A_22 = vector.load %arg5[%swap3A, %swap3A_20, %swap3A_21] : memref<256x64x128xf32, #tpu.memory_space<vmem>>, vector<256x64x128xf32>
    tpu.vector_store %arg5[%swap3A, %swap3A_20, %swap3A_21], %add3A_19 {strides = array<i32>} : memref<256x64x128xf32, #tpu.memory_space<vmem>>, vector<256x64x128xf32>,
    return
  }
  func.func @transform_0(%arg0: i32) -> (i32, i32) {
    %c0_i32 = arith.constant 0 : i32
    %c0_i32_0 = arith.constant 0 : i32
    %c0_i32_1 = arith.constant 0 : i32
    return %c0_i32, %c0_i32_0 : i32, i32
  }
  func.func @transform_1(%arg0: i32) -> (i32, i32) {
    %c0_i32 = arith.constant 0 : i32
    %c0_i32_0 = arith.constant 0 : i32
    %c0_i32_1 = arith.constant 0 : i32
    return %c0_i32, %c0_i32_0 : i32, i32
  }
  func.func @transform_2(%arg0: i32) -> (i32, i32) {
    %c0_i32 = arith.constant 0 : i32
    %c0_i32_0 = arith.constant 0 : i32
    %c0_i32_1 = arith.constant 0 : i32
    return %c0_i32, %c0_i32_0 : i32, i32
  }
  func.func @transform_3(%arg0: i32) -> (i32, i32, i32) {
    %c0_i32 = arith.constant 0 : i32
    %c0_i32_0 = arith.constant 0 : i32
    %c0_i32_1 = arith.constant 0 : i32
    return %arg0, %c0_i32, %c0_i32_0 : i32, i32, i32
  }
  func.func @transform_4(%arg0: i32) -> (i32, i32, i32) {
    %c0_i32 = arith.constant 0 : i32
    %c0_i32_0 = arith.constant 0 : i32
    %c0_i32_1 = arith.constant 0 : i32
    return %arg0, %c0_i32, %c0_i32_0 : i32, i32, i32
  }
}

</mosaic_0001>

<sc_bundles>
// kernel: kernel.4.cloned.1.call-start
scs
__scs_entry_jumppad:
0x0: {  	(pc) =	sbr.rel $0x88, $3  }
0x1: {  	(tag) =	ssettag $0x0;
	lr =	simm.s32 $0x1  }
0x2: {  	[smem:$0x3F9D] =	sst lr;
	_ =	strace $0xD0000000  }
0x3: {  	_ = 	snop  }
0x4: {  	_ = 	snop  }
0x5: {  	_ = 	snop  }
0x6: {  	_ = 	snop  }
0x7: {  	_ = 	snop  }
__scs_overlays_trampoline_lowered:
0x8: {  	[smem:$0x3FAC] =	sst s0  }
0x9: {  	[smem:$0x3FAD] =	sst s1  }
0xa: {  	[smem:$0x3FAE] =	sst s2  }
0xb: {  	[smem:$0x3FAF] =	sst s3  }
0xc: {  	[smem:$0x3FB0] =	sst s4  }
0xd: {  	[smem:$0x3FB1] =	sst s5  }
0xe: {  	[smem:$0x3FB2] =	sst s6  }
0xf: {  	[smem:$0x3FB3] =	sst s7  }
0x10: {  	[smem:$0x3FB4] =	sst s8  }
0x11: {  	[smem:$0x3FB5] =	sst s9;
	s0 =	simm.s32 @!p0 $0x0  }
0x12: {  	s1 =	sld [smem:$0x3F9B];
	s0 =	simm.s32 @p0 $0x1  }
0x13: {  	[smem:$0x3FB6] =	sst s0;
	s0 =	simm.s32 @!p1 $0x0  }
0x14: {  	s2 =	sld [smem:$0x3F9A];
	s0 =	simm.s32 @p1 $0x1  }
0x15: {  	[smem:$0x3FB7] =	sst s0;
	s0 =	simm.s32 @!p2 $0x0  }
0x16: {  	s3 =	sld [smem:$0x3FDB];
	s0 =	simm.s32 @p2 $0x1  }
0x17: {  	s4 =	simm.s32 $0x1BF5;
	[smem:$0x3FB9] =	sst s0  }
0x18: {  	s0 =	sld [smem:$0x3F9C];
	_ =	swait.ge [sflag:s4], $0x0  }
0x19: {  	s7 =	sld [smem:$0x3F9D]  }
0x1a: {  	s8 =	sadd.s32 $0xFFFFE003, lr  }
0x1b: {  	s9 =	sadd.s32 $0xFFFFFEF7, lr;
	s5 =	simm.s32 $0xFFFFFFFF;
	p2 =	slt.u32 s8, $0xFFFFF086  }
0x1c: {  	p1 =	slt.u32 s9, $0xF7A;
	s5 =	simm.s32 @!p2 $0x0  }
0x1d: {  	s5 =	simm.s32 @p1 $0x1;
	p0 =	seq.s32 s7, s2  }
0x1e: {  	s7 =	smul.u32 @!p0 $0xF7A, s2;
	p2 =	seq.s32 @!p0 s5, $0x0  }
0x1f: {  	s9 =	smul.u32 $0xF7A, s1;
	s8 =	simm.s32 @!p0 $0x1BF5;
	p2 =	por !p2, p0  }
0x20: {  	[sflag:s8] =	ssyncset.s32 @!p0 $0xFFFFF086;
	s6 =	sadd.s32 @!p0 s3, s7;
	s7 =	simm.s32 @!p0 $0x108  }
0x21: {  	s3 =	sadd.s32 s3, s9;
	s6 =	sadd.s32 @!p0 $0x88, s6;
	s7 =	simm.s32 @p2 $0x1082  }
0x22: {  	[simem:s7], [sflag:s8] =	dma.local @!p0 [hbm:s6], $0xF7A  }
0x23: {  	s9 =	sor.u32 $0xD0000000, s2;
	s6 =	simm.s32 $0x108;
	_ =	swait.ge @!p0 [sflag:s8], $0x0  }
0x24: {  	s3 =	sadd.s32 $0x88, s3;
	s6 =	simm.s32 @!p1 $0x1082;
	[sflag:s4] =	ssyncset.s32 $0xFFFFF086  }
0x25: {  	[simem:s6], [sflag:s4] =	dma.local [hbm:s3], $0xF7A  }
0x26: {  	[smem:$0x3F9D] =	sst s1;
	(tag) =	ssettag s2;
	_ =	strace s9  }
0x27: {  	s1 =	sld [smem:$0x3FAD]  }
0x28: {  	s2 =	sld [smem:$0x3FAE]  }
0x29: {  	s4 =	sld [smem:$0x3FB0]  }
0x2a: {  	p0 =	seq.s32 s5, $0x0;
	s5 =	sld [smem:$0x3FB1]  }
0x2b: {  	s6 =	sld [smem:$0x3FB2]  }
0x2c: {  	s7 =	sld [smem:$0x3FB3]  }
0x2d: {  	s3 =	simm.s32 $0x108;
	s8 =	sld [smem:$0x3FB4]  }
0x2e: {  	s3 =	simm.s32 @!p0 $0x1082;
	s9 =	sld [smem:$0x3FB5]  }
0x2f: {  	lr =	sadd.s32 s0, s3;
	s0 =	sld [smem:$0x3FAC]  }
0x30: {  	s3 =	sld [smem:$0x3FAF]  }
0x31: {  	[smem:$0x3FB8] =	sst s10  }
0x32: {  	s10 =	sld [smem:$0x3FB6];
	_ =	sdelay $0x3  }
0x33: {  	p0 =	seq.s32 s10, $0x1;
	s10 =	sld [smem:$0x3FB8];
	_ =	sdelay $0x3  }
0x34: {  	[smem:$0x3FB8] =	sst s10  }
0x35: {  	s10 =	sld [smem:$0x3FB7];
	_ =	sdelay $0x3  }
0x36: {  	p1 =	seq.s32 s10, $0x1;
	s10 =	sld [smem:$0x3FB8];
	_ =	sdelay $0x3  }
0x37: {  	[smem:$0x3FB8] =	sst s10  }
0x38: {  	s10 =	sld [smem:$0x3FB9]  }
0x39: {  	_ = 	snop;
	(pc) =	sbr.ind lr, $3  }
0x3a: {  	_ = 	snop  }
0x3b: {  	_ = 	snop  }
0x3c: {  	p2 =	seq.s32 s10, $0x1;
	s10 =	sld [smem:$0x3FB8]  }
0x3d: {  	_ =	shalt  }
0x3e: {  	_ =	shalt  }
0x3f: {  	_ =	shalt  }
0x40: {  	_ =	shalt  }
0x41: {  	_ =	shalt  }
0x42: {  	_ =	shalt  }
0x43: {  	_ =	shalt  }
0x44: {  	_ =	shalt  }
0x45: {  	_ =	shalt  }
0x46: {  	_ =	shalt  }
0x47: {  	_ =	shalt  }
0x48: {  	_ =	shalt  }
0x49: {  	_ =	shalt  }
0x4a: {  	_ =	shalt  }
0x4b: {  	_ =	shalt  }
0x4c: {  	_ =	shalt  }
0x4d: {  	_ =	shalt  }
0x4e: {  	_ =	shalt  }
0x4f: {  	_ =	shalt  }
0x50: {  	_ =	shalt  }
0x51: {  	_ =	shalt  }
0x52: {  	_ =	shalt  }
0x53: {  	_ =	shalt  }
0x54: {  	_ =	shalt  }
0x55: {  	_ =	shalt  }
0x56: {  	_ =	shalt  }
0x57: {  	_ =	shalt  }
0x58: {  	_ =	shalt  }
0x59: {  	_ =	shalt  }
0x5a: {  	_ =	shalt  }
0x5b: {  	_ =	shalt  }
0x5c: {  	_ =	shalt  }
0x5d: {  	_ =	shalt  }
0x5e: {  	_ =	shalt  }
0x5f: {  	_ =	shalt  }
0x60: {  	_ =	shalt  }
0x61: {  	_ =	shalt  }
0x62: {  	_ =	shalt  }
0x63: {  	_ =	shalt  }
0x64: {  	_ =	shalt  }
0x65: {  	_ =	shalt  }
0x66: {  	_ =	shalt  }
0x67: {  	_ =	shalt  }
0x68: {  	_ =	shalt  }
0x69: {  	_ =	shalt  }
0x6a: {  	_ =	shalt  }
0x6b: {  	_ =	shalt  }
0x6c: {  	_ =	shalt  }
0x6d: {  	_ =	shalt  }
0x6e: {  	_ =	shalt  }
0x6f: {  	_ =	shalt  }
0x70: {  	_ =	shalt  }
0x71: {  	_ =	shalt  }
0x72: {  	_ =	shalt  }
0x73: {  	_ =	shalt  }
0x74: {  	_ =	shalt  }
0x75: {  	_ =	shalt  }
0x76: {  	_ =	shalt  }
0x77: {  	_ =	shalt  }
0x78: {  	_ =	shalt  }
0x79: {  	_ =	shalt  }
0x7a: {  	_ =	shalt  }
0x7b: {  	_ =	shalt  }
0x7c: {  	_ =	shalt  }
0x7d: {  	_ =	shalt  }
0x7e: {  	_ =	shalt  }
0x7f: {  	_ =	shalt  }
0x80: {  	_ =	shalt  }
0x81: {  	_ =	shalt  }
0x82: {  	_ =	shalt  }
0x83: {  	_ =	shalt  }
0x84: {  	_ =	shalt  }
0x85: {  	_ =	shalt  }
0x86: {  	_ =	shalt  }
0x87: {  	_ =	shalt  }
.Lfunc_end0:
.L_simem_size_0:
called_computation_lowered:
.L_overlay_start_0:
0x88: {  	s0 =	sld [smem:$0x3FD9]  }
0x89: {  	s1 =	sld [smem:$0x3FFE];
	_ =	sdelay $0x3  }
0x8a: {  	s0 =	sadd.s32 s1, s0  }
0x8b: {  	[smem:$0x3FC4] =	sst s0  }
0x8c: {  	_ = 	snop  }
0x8d: {  	s0 =	sld [smem:$0x3FC8]  }
0x8e: {  	s17 =	sld [smem:$0x3FD0];
	(tm) =	ssettm $0x1  }
0x8f: {  	s2 =	sld [smem:$0x3FFB];
	_ =	sdelay $0x3  }
0x90: {  	_ =	strace s2  }
0x91: {  	s2 =	sld [smem:$0x3FFC];
	_ =	sdelay $0x3  }
0x92: {  	_ =	strace s2  }
0x93: {  	s2 =	sld [smem:$0x3FFD];
	_ =	sdelay $0x3  }
0x94: {  	_ =	strace s2  }
0x95: {  	_ =	strace $0x8FFFFFFF  }
0x96: {  	s18 =	sld [smem:$0x3FDB];
	_ =	sdelay $0x1  }
0x97: {  	s3 =	simm.s32 $_scs_section_size  }
0x98: {  	s4 =	simm.s32 $_size__tile_overlayer_lowered;
	s5 =	simm.s32 $_tile_overlayer_lowered  }
0x99: {  	s21 =	simm.s32 $0x1BFF;
	s20 =	sshll.u32 s5, $0x1;
	s2 =	sadd.s32 s3, s18  }
0x9a: {  	s6 =	simm.s32 $0x0;
	s19 =	sshll.u32 s4, $0x1;
	s4 =	sadd.s32 s20, s2  }
0x9b: {  	[timem:s6], [sflag:s21] =	dma.local [hbm:s4], s19  }
0x9c: {  	_ =	swait.ge [sflag:s21], s19  }
0x9d: {  	s3 =	ssub.s32 $0x0, s19;
	[sflag:s21] =	ssyncset.done $0x0  }
0x9e: {  	[sflag:s21] =	ssyncadd.s32 s3;
	_ =	sdelay $0x1  }
0x9f: {  	s22 =	simm.s32 $0x1B8B  }
0xa0: {  	_ =	swait.ge [sflag:s22], $0x1  }
0xa1: {  	[sflag:s22] =	ssyncset.done $0x0  }
0xa2: {  	s23 =	simm.s32 $0x1B8E;
	[sflag:s22] =	ssyncadd.s32 $0xFFFFFFFF  }
0xa3: {  	s24 =	simm.s32 $execute0_lowered;
	[smem:$0x3FD2] =	sst s23  }
0xa4: {  	s3 =	sshll.u32 s24, $0x1;
	_ =	strace $0x80000046;
	[dreg:$0x1] =	wrdreg $0xFFFFFFFF  }
0xa5: {  	s25 =	simm.s32 $_size_execute0_lowered;
	s2 =	sadd.s32 s2, s3;
	[dreg:$0x0] =	wrdreg $0x0  }
0xa6: {  	s3 =	sshll.u32 s25, $0x1;
	[dreg:$0x2] =	wrdreg s2  }
0xa7: {  	[dreg:$0x3] =	wrdreg s3  }
0xa8: {  	[dreg:$0x4] =	wrdreg $0xC0  }
0xa9: {  	_ =	task [dreg:s6], $0x5FFFF  }
0xaa: {  	[dreg:$0x1] =	wrdreg $0xFFFFFFFF  }
0xab: {  	[dreg:$0x0] =	wrdreg $0x60  }
0xac: {  	[dreg:$0x2] =	wrdreg s0  }
0xad: {  	[dreg:$0x3] =	wrdreg s17  }
0xae: {  	[dreg:$0x4] =	wrdreg $0x9  }
0xaf: {  	_ =	task.clear_ibuf [dreg:s6], $0x5FFFF;
	_ =	strace $0x90000046  }
0xb0: {  	s26 =	simm.s32 $0x9;
	_ =	strace $0x80000048  }
0xb1: {  	_ =	swait.ge [sflag:s26], $0x1  }
0xb2: {  	[sflag:s26] =	ssyncadd.s32 $0xFFFFFFFF  }
0xb3: {  	_ =	strace $0x90000048  }
0xb4: {  	_ =	sfence  }
0xb5: {  	s28 =	sld [smem:$0x0];
	_ =	sdelay $0x1  }
0xb6: {  	s29 =	srdreg.scid  }
0xb7: {  	s30 =	sshll.u32 s29, $0xD;
	s31 =	sshrl.u32 s29, $0x2  }
0xb8: {  	s1 =	sand.u32 $0x1, s29;
	s2 =	sand.u32 $0x4000, s30;
	s0 =	sadd.s32 s31, s28  }
0xb9: {  	s1 =	sor.u32 s2, s1;
	s0 =	sshll.u32 s0, $0x11  }
0xba: {  	s0 =	sor.u32 s0, s1  }
0xbb: {  	s0 =	sadd.s32 $0x8F2B, s0  }
0xbc: {  	[sflag:s0] =	ssyncadd.remote.s32 $0x1  }
0xbd: {  	_ =	sfence.sel $0xFFFF  }
0xbe: {  	[dreg:$0x0] =	wrdreg $0xFFFFFFFF;
	(pc) =	sbr.abs _section_cstart, $3  }
0xbf: {  	[dreg:$0x1] =	wrdreg $0xFFFFFFFF  }
0xc0: {  	_ =	task.clear_ibuf [dreg:s6], $0x2FFFF;
	_ =	strace $0x9FFFFFFF  }
0xc1: {  	(tm) =	ssettm $0x7FFFFFFF  }
tec
execute0_lowered:
.L_overlay_start_1:
0x0: {  	(tag) =	ssettag $0x1  }
0x1: {  	s3 =	stileid.u32  }
0x2: {  	p0 =	sne.s32 s3, $0x0  }
.Ltmp0:
0x3: {  	_ = 	snop;
	(pc) =	sbr.rel @p0 .LBB2_4-.Ltmp0, $4  }
0x4: {  	_ = 	snop  }
0x5: {  	s2 =	rddreg [dreg:$0x0]  }
0x6: {  	s1 =	rddreg [dreg:$0x1]  }
0x7: {  	s0 =	rddreg [dreg:$0x2];
	_ =	strace $0x80000047  }
0x8: {  	s3 =	simm.s32 $0x0;
	s31 =	simm.s32 $0x1  }
0x9: {  	[tilespmem:s3], [sflag:$0x1] =	stream.linear.gather [hbm4b:s2+s3], $0x100, $0x38;
	[tilespmem:$0x2180] =	vst v63  }
0xa: {  	_ =	swait.ge [sflag:s31], $0x100  }
0xb: {  	[sflag:s31] =	ssyncset.done $0x0  }
0xc: {  	v0 =	vimm.f32 $0.0e+00;
	s3 =	simm.s32 $0x200;
	s2 =	simm.s32 $0x0;
	[sflag:s31] =	ssyncadd.s32 $0xFFFFFF00  }
.LBB2_2:
0xd: {  	p1 =	sne.s32 s3, $0x7E00;
	[tilespmem:s2+$0x1B0] =	vst v0;
	s4 =	smov.u32 s3;
	s3 =	sadd.s32 $0x200, s3  }
.Ltmp1:
0xe: {  	[tilespmem:s2+$0x1A0] =	vst v0;
	(pc) =	sbr.rel @p1 .LBB2_2-.Ltmp1, $3  }
0xf: {  	[tilespmem:s2+$0x180] =	vst v0  }
0x10: {  	[tilespmem:s2+$0x190] =	vst v0;
	_ =	sdelay $0x1  }
0x11: {  	s2 =	sshra.s32 s4, $0x2  }
0x12: {  	[tilespmem:s2+$0x1B0] =	vst v0  }
0x13: {  	[tilespmem:s2+$0x1A0] =	vst v0  }
0x14: {  	[tilespmem:s2+$0x180] =	vst v0  }
0x15: {  	[tilespmem:s2+$0x190] =	vst v0  }
0x16: {  	v0 =	vld [tilespmem:$0x80];
	_ =	sdelay $0x2  }
0x17: {  	v1 =	vimm.f32 $1.000000000e+00  }
0x18: {  	[tilespmem:$0x100] =	vst v1  }
0x19: {  	[tilespmem:$0x110] =	vst v1  }
0x1a: {  	[tilespmem:$0x120] =	vst v1  }
0x1b: {  	s29 =	simm.s32 $0x100;
	[tilespmem:$0x130] =	vst v1  }
0x1c: {  	[tilespmem:v0+s29+$0x0] =	vst.idx.add.f32.msk $0xffff, v1  }
0x1d: {  	v0 =	vld [tilespmem:$0x90];
	_ =	sdelay $0x7  }
0x1e: {  	[tilespmem:v0+s29+$0x0] =	vst.idx.add.f32.msk $0xffff, v1  }
0x1f: {  	v0 =	vld [tilespmem:$0xA0];
	_ =	sdelay $0x7  }
0x20: {  	[tilespmem:v0+s29+$0x0] =	vst.idx.add.f32.msk $0xffff, v1  }
0x21: {  	v0 =	vld [tilespmem:$0xB0];
	_ =	sdelay $0x7  }
0x22: {  	[tilespmem:v0+s29+$0x0] =	vst.idx.add.f32.msk $0xffff, v1  }
0x23: {  	v0 =	vld [tilespmem:$0xC0];
	_ =	sdelay $0x7  }
0x24: {  	[tilespmem:v0+s29+$0x0] =	vst.idx.add.f32.msk $0xffff, v1  }
0x25: {  	v0 =	vld [tilespmem:$0xD0];
	_ =	sdelay $0x7  }
0x26: {  	[tilespmem:v0+s29+$0x0] =	vst.idx.add.f32.msk $0xffff, v1  }
0x27: {  	v0 =	vld [tilespmem:$0xE0];
	_ =	sdelay $0x7  }
0x28: {  	[tilespmem:v0+s29+$0x0] =	vst.idx.add.f32.msk $0xffff, v1  }
0x29: {  	v0 =	vld [tilespmem:$0xF0];
	_ =	sdelay $0x7  }
0x2a: {  	[tilespmem:v0+s29+$0x0] =	vst.idx.add.f32.msk $0xffff, v1  }
0x2b: {  	v0 =	vld [tilespmem:$0x100]  }
0x2c: {  	v1 =	vld [tilespmem:$0x110]  }
0x2d: {  	v2 =	vld [tilespmem:$0x120]  }
0x2e: {  	v3 =	vld [tilespmem:$0x130];
	_ =	sdelay $0x1  }
0x2f: {  	v4 =	vshra.s32 v0, $0x1  }
0x30: {  	v0 =	vmul.f32 $5.000000000e-01, v0;
	v5 =	vshra.s32 v1, $0x1;
	v1 =	vmul.f32 $5.000000000e-01, v1  }
0x31: {  	v8 =	vshra.s32 v2, $0x1;
	v2 =	vmul.f32 $5.000000000e-01, v2;
	v4 =	vsub.s32 $0x5F3759DF, v4  }
0x32: {  	v9 =	vshra.s32 v3, $0x1;
	v5 =	vsub.s32 $0x5F3759DF, v5;
	v6 =	vmul.f32 v4, v0  }
0x33: {  	v3 =	vmul.f32 $5.000000000e-01, v3;
	v8 =	vsub.s32 $0x5F3759DF, v8;
	v7 =	vmul.f32 v5, v1  }
0x34: {  	v9 =	vsub.s32 $0x5F3759DF, v9;
	v10 =	vmul.f32 v8, v2;
	v6 =	vmul.f32 v4, v6  }
0x35: {  	v11 =	vmul.f32 v9, v3;
	v7 =	vmul.f32 v5, v7  }
0x36: {  	v10 =	vmul.f32 v8, v10;
	v6 =	vsub.f32 $1.500000000e+00, v6  }
0x37: {  	v11 =	vmul.f32 v9, v11;
	v7 =	vsub.f32 $1.500000000e+00, v7  }
0x38: {  	v16 =	vsub.f32 $1.500000000e+00, v10;
	v4 =	vmul.f32 v4, v6  }
0x39: {  	v17 =	vsub.f32 $1.500000000e+00, v11;
	v5 =	vmul.f32 v5, v7  }
0x3a: {  	v6 =	vmul.f32 v8, v16;
	v18 =	vmul.f32 v4, v0  }
0x3b: {  	v7 =	vmul.f32 v9, v17;
	v19 =	vmul.f32 v5, v1  }
0x3c: {  	v21 =	vmul.f32 v6, v2;
	v20 =	vmul.f32 v18, v4  }
0x3d: {  	v22 =	vmul.f32 v7, v3;
	v8 =	vmul.f32 v19, v5  }
0x3e: {  	v10 =	vmul.f32 v21, v6;
	v9 =	vsub.f32 $1.500000000e+00, v20  }
0x3f: {  	v11 =	vmul.f32 v22, v7;
	v8 =	vsub.f32 $1.500000000e+00, v8  }
0x40: {  	v23 =	vsub.f32 $1.500000000e+00, v10;
	v4 =	vmul.f32 v9, v4  }
0x41: {  	v24 =	vsub.f32 $1.500000000e+00, v11;
	v5 =	vmul.f32 v8, v5  }
0x42: {  	v6 =	vmul.f32 v23, v6;
	v0 =	vmul.f32 v4, v0  }
0x43: {  	v7 =	vmul.f32 v24, v7;
	v1 =	vmul.f32 v5, v1  }
0x44: {  	v2 =	vmul.f32 v6, v2;
	v0 =	vmul.f32 v0, v4  }
0x45: {  	v3 =	vmul.f32 v7, v3;
	v1 =	vmul.f32 v1, v5  }
0x46: {  	v25 =	vld [tilespmem:$0x0];
	v2 =	vmul.f32 v2, v6;
	v0 =	vsub.f32 $1.500000000e+00, v0  }
0x47: {  	v26 =	vld [tilespmem:$0x80];
	v3 =	vmul.f32 v3, v7;
	v1 =	vsub.f32 $1.500000000e+00, v1  }
0x48: {  	v2 =	vsub.f32 $1.500000000e+00, v2;
	v0 =	vmul.f32 v0, v4  }
0x49: {  	v3 =	vsub.f32 $1.500000000e+00, v3;
	v1 =	vmul.f32 v1, v5  }
0x4a: {  	v27 =	vmul.f32 v2, v6;
	[tilespmem:$0x100] =	vst v0  }
0x4b: {  	v28 =	vmul.f32 v3, v7;
	[tilespmem:$0x110] =	vst v1  }
0x4c: {  	[tilespmem:$0x120] =	vst v27  }
0x4d: {  	[tilespmem:$0x130] =	vst v28  }
0x4e: {  	v0 =	vld.idx.msk [tilespmem:v25+s29+$0x0], $0xffff  }
0x4f: {  	v29 =	vand.u32 $0xFFFFFF80, v25;
	v31 =	vshll.u32 v26, $0x7;
	v30 =	vld.idx.msk [tilespmem:v26+s29+$0x0], $0xffff  }
0x50: {  	v32 =	vand.u32 $0x7F, v25;
	v1 =	vadd.s32 v29, v31  }
0x51: {  	v1 =	vor.u32 v32, v1;
	_ =	sdelay $0x2  }
0x52: {  	v0 =	vmul.f32 v30, v0  }
0x53: {  	s3 =	simm.s32 $0x180  }
0x54: {  	[tilespmem:v1+s3+$0x0] =	vst.idx.add.f32.msk $0xffff, v0  }
0x55: {  	v0 =	vld [tilespmem:$0x10]  }
0x56: {  	v1 =	vld [tilespmem:$0x90];
	_ =	sdelay $0x6  }
0x57: {  	v33 =	vld.idx.msk [tilespmem:v0+s29+$0x0], $0xffff  }
0x58: {  	v34 =	vand.u32 $0xFFFFFF80, v0;
	v35 =	vld.idx.msk [tilespmem:v1+s29+$0x0], $0xffff;
	v1 =	vshll.u32 v1, $0x7  }
0x59: {  	v0 =	vand.u32 $0x7F, v0;
	v1 =	vadd.s32 v34, v1  }
0x5a: {  	v0 =	vor.u32 v0, v1;
	_ =	sdelay $0x2  }
0x5b: {  	v36 =	vmul.f32 v35, v33;
	_ =	sdelay $0x1  }
0x5c: {  	[tilespmem:v0+s3+$0x0] =	vst.idx.add.f32.msk $0xffff, v36  }
0x5d: {  	v0 =	vld [tilespmem:$0x20]  }
0x5e: {  	v1 =	vld [tilespmem:$0xA0];
	_ =	sdelay $0x6  }
0x5f: {  	v37 =	vld.idx.msk [tilespmem:v0+s29+$0x0], $0xffff  }
0x60: {  	v38 =	vand.u32 $0xFFFFFF80, v0;
	v39 =	vld.idx.msk [tilespmem:v1+s29+$0x0], $0xffff;
	v1 =	vshll.u32 v1, $0x7  }
0x61: {  	v0 =	vand.u32 $0x7F, v0;
	v1 =	vadd.s32 v38, v1  }
0x62: {  	v0 =	vor.u32 v0, v1;
	_ =	sdelay $0x2  }
0x63: {  	v40 =	vmul.f32 v39, v37;
	_ =	sdelay $0x1  }
0x64: {  	[tilespmem:v0+s3+$0x0] =	vst.idx.add.f32.msk $0xffff, v40  }
0x65: {  	v0 =	vld [tilespmem:$0x30]  }
0x66: {  	v1 =	vld [tilespmem:$0xB0];
	_ =	sdelay $0x6  }
0x67: {  	v41 =	vld.idx.msk [tilespmem:v0+s29+$0x0], $0xffff  }
0x68: {  	v42 =	vand.u32 $0xFFFFFF80, v0;
	v43 =	vld.idx.msk [tilespmem:v1+s29+$0x0], $0xffff;
	v1 =	vshll.u32 v1, $0x7  }
0x69: {  	v0 =	vand.u32 $0x7F, v0;
	v1 =	vadd.s32 v42, v1  }
0x6a: {  	v0 =	vor.u32 v0, v1;
	_ =	sdelay $0x2  }
0x6b: {  	v44 =	vmul.f32 v43, v41;
	_ =	sdelay $0x1  }
0x6c: {  	[tilespmem:v0+s3+$0x0] =	vst.idx.add.f32.msk $0xffff, v44  }
0x6d: {  	v0 =	vld [tilespmem:$0x40]  }
0x6e: {  	v1 =	vld [tilespmem:$0xC0];
	_ =	sdelay $0x6  }
0x6f: {  	v45 =	vld.idx.msk [tilespmem:v0+s29+$0x0], $0xffff  }
0x70: {  	v46 =	vand.u32 $0xFFFFFF80, v0;
	v47 =	vld.idx.msk [tilespmem:v1+s29+$0x0], $0xffff;
	v1 =	vshll.u32 v1, $0x7  }
0x71: {  	v0 =	vand.u32 $0x7F, v0;
	v1 =	vadd.s32 v46, v1  }
0x72: {  	v0 =	vor.u32 v0, v1;
	_ =	sdelay $0x2  }
0x73: {  	v48 =	vmul.f32 v47, v45;
	_ =	sdelay $0x1  }
0x74: {  	[tilespmem:v0+s3+$0x0] =	vst.idx.add.f32.msk $0xffff, v48  }
0x75: {  	v0 =	vld [tilespmem:$0x50]  }
0x76: {  	v1 =	vld [tilespmem:$0xD0];
	_ =	sdelay $0x6  }
0x77: {  	v49 =	vld.idx.msk [tilespmem:v0+s29+$0x0], $0xffff  }
0x78: {  	v50 =	vand.u32 $0xFFFFFF80, v0;
	v51 =	vld.idx.msk [tilespmem:v1+s29+$0x0], $0xffff;
	v1 =	vshll.u32 v1, $0x7  }
0x79: {  	v0 =	vand.u32 $0x7F, v0;
	v1 =	vadd.s32 v50, v1  }
0x7a: {  	v0 =	vor.u32 v0, v1;
	_ =	sdelay $0x2  }
0x7b: {  	v52 =	vmul.f32 v51, v49;
	_ =	sdelay $0x1  }
0x7c: {  	[tilespmem:v0+s3+$0x0] =	vst.idx.add.f32.msk $0xffff, v52  }
0x7d: {  	v0 =	vld [tilespmem:$0x60]  }
0x7e: {  	v1 =	vld [tilespmem:$0xE0];
	_ =	sdelay $0x6  }
0x7f: {  	v53 =	vld.idx.msk [tilespmem:v0+s29+$0x0], $0xffff  }
0x80: {  	v54 =	vand.u32 $0xFFFFFF80, v0;
	v55 =	vld.idx.msk [tilespmem:v1+s29+$0x0], $0xffff;
	v1 =	vshll.u32 v1, $0x7  }
0x81: {  	v0 =	vand.u32 $0x7F, v0;
	v1 =	vadd.s32 v54, v1  }
0x82: {  	v0 =	vor.u32 v0, v1;
	_ =	sdelay $0x2  }
0x83: {  	v56 =	vmul.f32 v55, v53;
	_ =	sdelay $0x1  }
0x84: {  	[tilespmem:v0+s3+$0x0] =	vst.idx.add.f32.msk $0xffff, v56  }
0x85: {  	v0 =	vld [tilespmem:$0x70]  }
0x86: {  	v1 =	vld [tilespmem:$0xF0];
	_ =	sdelay $0x6  }
0x87: {  	v57 =	vld.idx.msk [tilespmem:v0+s29+$0x0], $0xffff  }
0x88: {  	v58 =	vand.u32 $0xFFFFFF80, v0;
	v59 =	vld.idx.msk [tilespmem:v1+s29+$0x0], $0xffff;
	v1 =	vshll.u32 v1, $0x7  }
0x89: {  	v0 =	vand.u32 $0x7F, v0;
	v1 =	vadd.s32 v58, v1  }
0x8a: {  	v0 =	vor.u32 v0, v1;
	_ =	sdelay $0x2  }
0x8b: {  	v60 =	vmul.f32 v59, v57;
	_ =	sdelay $0x1  }
0x8c: {  	[tilespmem:v0+s3+$0x0] =	vst.idx.add.f32.msk $0xffff, v60  }
0x8d: {  	v61 =	vlaneseq.u32;
	v0 =	vld [tilespmem:$0x100]  }
0x8e: {  	v1 =	vmul.u32 $0x81, v61;
	_ =	sdelay $0x3  }
0x8f: {  	v0 =	vmul.f32 v0, v0;
	_ =	sdelay $0x1  }
0x90: {  	[tilespmem:v1+s3+$0x0] =	vst.idx.add.f32.msk $0xffff, v0  }
0x91: {  	v0 =	vld [tilespmem:$0x110];
	_ =	sdelay $0x1  }
0x92: {  	v62 =	vadd.s32 $0x810, v1;
	_ =	sdelay $0x2  }
0x93: {  	v0 =	vmul.f32 v0, v0;
	_ =	sdelay $0x1  }
0x94: {  	[tilespmem:v62+s3+$0x0] =	vst.idx.add.f32.msk $0xffff, v0  }
0x95: {  	v0 =	vld [tilespmem:$0x120];
	_ =	sdelay $0x1  }
0x96: {  	v63 =	vadd.s32 $0x1020, v1;
	_ =	sdelay $0x2  }
0x97: {  	v0 =	vmul.f32 v0, v0;
	_ =	sdelay $0x1  }
0x98: {  	[tilespmem:v63+s3+$0x0] =	vst.idx.add.f32.msk $0xffff, v0  }
0x99: {  	v0 =	vld [tilespmem:$0x130];
	_ =	sdelay $0x1  }
0x9a: {  	v1 =	vadd.s32 $0x1830, v1;
	_ =	sdelay $0x2  }
0x9b: {  	v0 =	vmul.f32 v0, v0;
	_ =	sdelay $0x1  }
0x9c: {  	s30 =	simm.s32 $0x0;
	s31 =	simm.s32 $0x1;
	[tilespmem:v1+s3+$0x0] =	vst.idx.add.f32.msk $0xffff, v0  }
0x9d: {  	[hbm4b:s1+s30] =	stream.linear.scatter [tilespmem:s3], [sflag:$0x1], $0x2000, $0x38;
	[tilespmem:$0x2180] =	vst v63  }
0x9e: {  	_ =	swait.ge [sflag:s31], $0x2000  }
0x9f: {  	[sflag:s31] =	ssyncset.done $0x0  }
0xa0: {  	[sflag:s31] =	ssyncadd.s32 $0xFFFFE000  }
.LBB2_4:
0xa1: {  	_ =	sfence.sel $0x180000  }
0xa2: {  	[bflag:$0x0] =	sbarrier.arrive $0xFFFF  }
0xa3: {  	_ =	strace $0x90000047  }
0xa4: {  	s0 =	sadd.s32 @!p0 $0x100000, s0;
	[bflag:$0x2] =	sbarrier.arrive $0xFFFF  }
0xa5: {  	[sflag:s0] =	ssyncadd.tile.s32 @!p0 $0x1;
	_ =	shalt  }
.Lfunc_end2:
_tile_overlayer_lowered:
.L_overlay_start_2:
0xa6: {  	(tag) =	ssettag $0x2  }
0xa7: {  	s0 =	rddreg [dreg:$0x0];
	s2 =	stileid.u32  }
0xa8: {  	s1 =	rddreg [dreg:$0x1];
	p0 =	sne.s32 s2, $0x0  }
0xa9: {  	s3 =	rddreg [dreg:$0x2];
	[bflag:$0x3] =	sbarrier.arrive $0xFFFF;
	s2 =	simm.s32 @!p0 $0x1C01  }
0xaa: {  	[timem:s3], [sflag:s2] =	dma.local @!p0 [hbm:s0], s1  }
0xab: {  	s0 =	simm.s32 @!p0 $0x1  }
0xac: {  	_ =	swait.ge @!p0 [sflag:s0], s1  }
0xad: {  	s1 =	ssub.s32 @!p0 $0x0, s1;
	[sflag:s0] =	ssyncset.done @!p0 $0x0  }
0xae: {  	[sflag:s0] =	ssyncadd.s32 @!p0 s1  }
0xaf: {  	[bflag:$0x3] =	sbarrier.arrive $0xFFFF  }
0xb0: {  	_ =	shalt  }

</sc_bundles>
